<compile_context>
chip_gen: v7x
topology: tpu7x:2x2x1
jax: 0.10.2.dev20260603
libtpu: 0.0.44.dev20260713+nightly
codegen_flags: <defaults>
</compile_context>

<pallas_src>
import functools

import jax
import jax.numpy as jnp
from jax import lax
from jax.experimental import pallas as pl
from jax.experimental.pallas import tpu as pltpu
from jax.experimental.pallas import tpu_sc as plsc

_L = 16
_NC = 2
_NS = 16


def _segment_sum_sc(edges, dist_row, n_pad):
    nw = _NC * _NS
    n_e = dist_row.shape[1]
    ch = n_e // nw // 128 * 128
    tail = n_e - nw * ch
    mesh = plsc.VectorSubcoreMesh(core_axis_name="c", subcore_axis_name="s")

    @functools.partial(
        pl.kernel,
        mesh=mesh,
        compiler_params=pltpu.CompilerParams(needs_layout_passes=False),
        out_type=jax.ShapeDtypeStruct((nw, n_pad), jnp.float32),
        scratch_types=[
            pltpu.VMEM((2, ch), jnp.int32),
            pltpu.VMEM((ch,), jnp.float32),
            pltpu.VMEM((2, tail), jnp.int32),
            pltpu.VMEM((tail,), jnp.float32),
            pltpu.VMEM((n_pad,), jnp.float32),
            pltpu.SemaphoreType.DMA,
            pltpu.SemaphoreType.DMA,
        ],
    )
    def seg_sum(edges_hbm, dist_hbm, out_hbm,
                idx_v, val_v, idx_x, val_x, acc_v, sem1, sem2):
        wid = lax.axis_index("s") * _NC + lax.axis_index("c")
        base = wid * ch
        cp_idx = pltpu.async_copy(
            edges_hbm.at[:, pl.ds(base, ch)], idx_v, sem1)
        cp_val = pltpu.async_copy(
            dist_hbm.at[0, pl.ds(base, ch)], val_v, sem2)

        @plsc.parallel_loop(0, n_pad, step=_L, unroll=4)
        def zero(i):
            acc_v[pl.ds(i, _L)] = jnp.zeros((_L,), jnp.float32)

        cp_idx.wait()
        cp_val.wait()

        @plsc.parallel_loop(0, ch, step=_L, unroll=4)
        def body(i):
            plsc.addupdate_scatter(
                acc_v, [idx_v[0, pl.ds(i, _L)]], val_v[pl.ds(i, _L)]
            )

        @pl.when(wid == 0)
        def _():
            cpi = pltpu.async_copy(
                edges_hbm.at[:, pl.ds(nw * ch, tail)], idx_x, sem1)
            cpv = pltpu.async_copy(
                dist_hbm.at[0, pl.ds(nw * ch, tail)], val_x, sem2)
            cpi.wait()
            cpv.wait()

            @plsc.parallel_loop(0, tail, step=_L, unroll=2)
            def tail_body(i):
                plsc.addupdate_scatter(
                    acc_v, [idx_x[0, pl.ds(i, _L)]], val_x[pl.ds(i, _L)]
                )

        pltpu.sync_copy(acc_v, out_hbm.at[wid])

    return seg_sum(edges, dist_row)


def _node_update_tc(h, parts, Wn1, b1, Wn2, b2):
    n, d = h.shape
    nw = parts.shape[0]
    B = 5120
    grid = (pl.cdiv(n, B),)

    def body(h_ref, p_ref, Wn1_ref, b1_ref, Wn2_ref, b2_ref, out_ref):
        hb = h_ref[...]
        w1b = Wn1_ref[d:d + 1, :] * 0.01
        C = jnp.broadcast_to(w1b, (nw, d))
        t = jnp.dot(hb, Wn1_ref[:d, :], preferred_element_type=jnp.float32)
        t = t + lax.dot_general(
            p_ref[...], C, (((0,), (0,)), ((), ())),
            preferred_element_type=jnp.float32,
        )
        t = t + b1_ref[...]
        t = t * jax.nn.sigmoid(t)
        o = jnp.dot(t, Wn2_ref[...], preferred_element_type=jnp.float32)
        out_ref[...] = o + b2_ref[...] + hb

    return pl.pallas_call(
        body,
        grid=grid,
        in_specs=[
            pl.BlockSpec((B, d), lambda i: (i, 0)),
            pl.BlockSpec((nw, B), lambda i: (0, i)),
            pl.BlockSpec((d + 1, d), lambda i: (0, 0)),
            pl.BlockSpec((1, d), lambda i: (0, 0)),
            pl.BlockSpec((d, d), lambda i: (0, 0)),
            pl.BlockSpec((1, d), lambda i: (0, 0)),
        ],
        out_specs=pl.BlockSpec((B, d), lambda i: (i, 0)),
        out_shape=jax.ShapeDtypeStruct((n, d), jnp.float32),
    )(h, parts, Wn1, b1.reshape(1, d), Wn2, b2.reshape(1, d))


def kernel(h, edges, distances, W_edg1, b_edg1, W_edg2, b_edg2,
           W_edgi, b_edgi, W_node1, b_node1, W_node2, b_node2):
    n_nodes, d = h.shape
    n_pad = ((n_nodes + 2047) // 2048) * 2048
    parts = _segment_sum_sc(edges.astype(jnp.int32),
                            distances.reshape(1, -1), n_pad)
    return _node_update_tc(h, parts, W_node1, b_node1, W_node2, b_node2)

# --- scband reference (transcript-rebuilt; emitter-appended) ---
"""Pipeline reference for scband-gcl-24833500905739 (READ-ONLY COPY).

The authoritative reference and input builder live on the scoring server;
editing this copy changes nothing except your own understanding.
"""

import jax, jax.numpy as jnp
import numpy as np

HIDDEN = 128
N_NODES = 10000
N_EDGES = 320000


def setup_inputs(seed: int = 0) -> dict:
    key = jax.random.key(seed)
    ks = jax.random.split(key, 16)
    h = jax.random.normal(ks[0], (N_NODES, HIDDEN), dtype=jnp.float32)
    edges = jax.random.randint(ks[1], (2, N_EDGES), 0, N_NODES, dtype=jnp.int64)
    distances = jax.random.uniform(ks[2], (N_EDGES, 1), dtype=jnp.float32)
    def lin(k, fan_in, fan_out):
        k1, k2 = jax.random.split(k)
        bound = 1.0 / np.sqrt(fan_in)
        W = jax.random.uniform(k1, (fan_in, fan_out), dtype=jnp.float32, minval=-bound, maxval=bound)
        b = jax.random.uniform(k2, (fan_out,), dtype=jnp.float32, minval=-bound, maxval=bound)
        return W, b
    W_edg1, b_edg1 = lin(ks[3], HIDDEN * 2 + 1, HIDDEN)
    W_edg2, b_edg2 = lin(ks[4], HIDDEN, HIDDEN)
    W_edgi, b_edgi = lin(ks[5], HIDDEN, 1)
    W_node1, b_node1 = lin(ks[6], HIDDEN + 1, HIDDEN)
    W_node2, b_node2 = lin(ks[7], HIDDEN, HIDDEN)
    return {"h": h, "edges": edges, "distances": distances,
            "W_edg1": W_edg1, "b_edg1": b_edg1,
            "W_edg2": W_edg2, "b_edg2": b_edg2,
            "W_edgi": W_edgi, "b_edgi": b_edgi,
            "W_node1": W_node1, "b_node1": b_node1,
            "W_node2": W_node2, "b_node2": b_node2}


def reference(h, edges, distances, W_edg1, b_edg1, W_edg2, b_edg2, W_edgi, b_edgi, W_node1, b_node1, W_node2, b_node2):
    row = edges[0]
    col = edges[1]
    # edge_operation
    h1 = jnp.take(h, row, axis=0)
    h2 = jnp.take(h, col, axis=0)
    inp = jnp.concatenate([h1, h2, distances], axis=1)
    m = jax.nn.silu(inp @ W_edg1 + b_edg1)
    m = jax.nn.silu(m @ W_edg2 + b_edg2)
    # edge_inference gating (computed in the original module, though unused in output)
    gate = jax.nn.sigmoid(m @ W_edgi + b_edgi)
    edge_feat = gate * m
    # unsorted_segment_sum over distances with row ids, then /100
    agg = jax.ops.segment_sum(distances, row, num_segments=h.shape[0]) / 100.0
    # node_update
    ninp = jnp.concatenate([h, agg], axis=-1)
    n = jax.nn.silu(ninp @ W_node1 + b_node1)
    n = n @ W_node2 + b_node2
    out = h + n
    return out

if __name__ == "__main__":
    import jax
    _d = setup_inputs()
    print(jax.jit(kernel)(*tuple(_d.values())))

</pallas_src>

<mosaic_0001>
#map = affine_map<(d0, d1) -> (0, 0)>
module attributes {stable_mosaic.version = 14 : i64} {
  func.func @seg_sum(%arg0: i32, %arg1: i32, %arg2: memref<2x320000xi32, #tpu.memory_space<hbm>>, %arg3: memref<1x320000xf32, #tpu.memory_space<hbm>>, %arg4: memref<32x10240xf32, #tpu.memory_space<hbm>>, %arg5: memref<2x9984xi32, #tpu.memory_space<vmem>>, %arg6: memref<9984xf32, #tpu.memory_space<vmem>>, %arg7: memref<2x512xi32, #tpu.memory_space<vmem>>, %arg8: memref<512xf32, #tpu.memory_space<vmem>>, %arg9: memref<10240xf32, #tpu.memory_space<vmem>>, %arg10: memref<!tpu.dma_semaphore, #tpu.memory_space<semaphore_mem>>, %arg11: memref<!tpu.dma_semaphore, #tpu.memory_space<semaphore_mem>>) attributes {dimension_semantics = [#tpu.dimension_semantics<core_parallel>, #tpu.dimension_semantics<subcore_parallel>], iteration_bounds = array<i64: 2, 16>, scalar_prefetch = 0 : i64, scratch_operands = 7 : i64, tpu.core_type = #tpu.core_type<sc_vector_subcore>, window_params = [{transform_indices = #map}, {transform_indices = #map}, {transform_indices = #map}]} {
    %mul3A = arith.constant 2 : i32
    %mul3A_0 = arith.muli %arg1, %mul3A : i32
    %add3A = arith.addi %mul3A_0, %arg0 : i32
    %mul3A_1 = arith.constant 9984 : i32
    %mul3A_2 = arith.muli %add3A, %mul3A_1 : i32
    %dma_start3A = arith.constant 0 : i32
    %dma_start3A_3 = tpu.memref_slice %arg2[%dma_start3A, %mul3A_2] : memref<2x320000xi32, #tpu.memory_space<hbm>> -> memref<2x9984xi32, #tpu.memory_space<hbm>>
    %dma_start3A_4 = arith.constant 0 : i32
    %dma_start3A_5 = tpu.memref_slice %arg2[%dma_start3A_4, %mul3A_2] : memref<2x320000xi32, #tpu.memory_space<hbm>> -> memref<2x9984xi32, #tpu.memory_space<hbm>>
    tpu.enqueue_dma source(%dma_start3A_5 : memref<2x9984xi32, #tpu.memory_space<hbm>>) target(%arg5 : memref<2x9984xi32, #tpu.memory_space<vmem>>) target_semaphore(%arg10 : memref<!tpu.dma_semaphore, #tpu.memory_space<semaphore_mem>>)
    %dma_start3A_6 = arith.constant 0 : i32
    %dma_start3A_7 = tpu.memref_slice %arg3[%dma_start3A_6, %mul3A_2] : memref<1x320000xf32, #tpu.memory_space<hbm>> -> memref<1x9984xf32, #tpu.memory_space<hbm>>
    %dma_start3A_8 = tpu.memref_squeeze %dma_start3A_7 : memref<1x9984xf32, #tpu.memory_space<hbm>> -> memref<9984xf32, #tpu.memory_space<hbm>>
    %dma_start3A_9 = tpu.memref_slice %arg3[%dma_start3A_6, %mul3A_2] : memref<1x320000xf32, #tpu.memory_space<hbm>> -> memref<1x9984xf32, #tpu.memory_space<hbm>>
    %dma_start3A_10 = tpu.memref_squeeze %dma_start3A_9 : memref<1x9984xf32, #tpu.memory_space<hbm>> -> memref<9984xf32, #tpu.memory_space<hbm>>
    tpu.enqueue_dma source(%dma_start3A_10 : memref<9984xf32, #tpu.memory_space<hbm>>) target(%arg6 : memref<9984xf32, #tpu.memory_space<vmem>>) target_semaphore(%arg11 : memref<!tpu.dma_semaphore, #tpu.memory_space<semaphore_mem>>)
    %parallel_loop3A = arith.constant 0 : i32
    %parallel_loop3A_11 = arith.constant 10240 : i32
    %parallel_loop3A_12 = arith.constant 16 : i32
    scf.for %parallel_loop3A_26 = %parallel_loop3A to %parallel_loop3A_11 step %parallel_loop3A_12  : i32 {
      %parallel_loop3A_27 = arith.constant 0.000000e+00 : f32
      %parallel_loop3A_28 = vector.broadcast %parallel_loop3A_27 : f32 to vector<16xf32>
      %parallel_loop3A_29 = arith.index_cast %parallel_loop3A_26 : i32 to index
      %parallel_loop3A_30 = tpu.vector_load %arg9[%parallel_loop3A_29] {strides = array<i32>} : memref<10240xf32, #tpu.memory_space<vmem>>, vector<16xf32>,
      tpu.vector_store %arg9[%parallel_loop3A_29], %parallel_loop3A_28 {strides = array<i32>} : memref<10240xf32, #tpu.memory_space<vmem>>, vector<16xf32>,
    } {sc.loop_unroll_factor = 4 : i64, sc.parallel_access}
    %dma_wait3A = arith.constant 0 : i32
    %dma_wait3A_13 = tpu.memref_slice %arg2[%dma_wait3A, %mul3A_2] : memref<2x320000xi32, #tpu.memory_space<hbm>> -> memref<2x9984xi32, #tpu.memory_space<hbm>>
    %dma_wait3A_14 = arith.constant 0 : i32
    %dma_wait3A_15 = tpu.memref_slice %arg2[%dma_wait3A_14, %mul3A_2] : memref<2x320000xi32, #tpu.memory_space<hbm>> -> memref<2x9984xi32, #tpu.memory_space<hbm>>
    tpu.wait_dma2 semaphore(%arg10 : memref<!tpu.dma_semaphore, #tpu.memory_space<semaphore_mem>>) src(%dma_wait3A_15 : memref<2x9984xi32, #tpu.memory_space<hbm>>) dst(%arg5 : memref<2x9984xi32, #tpu.memory_space<vmem>>)
    %dma_wait3A_16 = arith.constant 0 : i32
    %dma_wait3A_17 = tpu.memref_slice %arg3[%dma_wait3A_16, %mul3A_2] : memref<1x320000xf32, #tpu.memory_space<hbm>> -> memref<1x9984xf32, #tpu.memory_space<hbm>>
    %dma_wait3A_18 = tpu.memref_squeeze %dma_wait3A_17 : memref<1x9984xf32, #tpu.memory_space<hbm>> -> memref<9984xf32, #tpu.memory_space<hbm>>
    %dma_wait3A_19 = tpu.memref_slice %arg3[%dma_wait3A_16, %mul3A_2] : memref<1x320000xf32, #tpu.memory_space<hbm>> -> memref<1x9984xf32, #tpu.memory_space<hbm>>
    %dma_wait3A_20 = tpu.memref_squeeze %dma_wait3A_19 : memref<1x9984xf32, #tpu.memory_space<hbm>> -> memref<9984xf32, #tpu.memory_space<hbm>>
    tpu.wait_dma2 semaphore(%arg11 : memref<!tpu.dma_semaphore, #tpu.memory_space<semaphore_mem>>) src(%dma_wait3A_20 : memref<9984xf32, #tpu.memory_space<hbm>>) dst(%arg6 : memref<9984xf32, #tpu.memory_space<vmem>>)
    %parallel_loop3A_21 = arith.constant 0 : i32
    %parallel_loop3A_22 = arith.constant 9984 : i32
    %parallel_loop3A_23 = arith.constant 16 : i32
    scf.for %parallel_loop3A_26 = %parallel_loop3A_21 to %parallel_loop3A_22 step %parallel_loop3A_23  : i32 {
      %parallel_loop3A_27 = arith.constant 0 : i32
      %parallel_loop3A_28 = arith.index_cast %parallel_loop3A_27 : i32 to index
      %parallel_loop3A_29 = arith.index_cast %parallel_loop3A_26 : i32 to index
      %parallel_loop3A_30 = tpu.vector_load %arg5[%parallel_loop3A_28, %parallel_loop3A_29] {strides = array<i32>} : memref<2x9984xi32, #tpu.memory_space<vmem>>, vector<16xi32>,
      %parallel_loop3A_31 = arith.index_cast %parallel_loop3A_26 : i32 to index
      %parallel_loop3A_32 = tpu.vector_load %arg6[%parallel_loop3A_31] {strides = array<i32>} : memref<9984xf32, #tpu.memory_space<vmem>>, vector<16xf32>,
      tpu.vector_store_idx %arg9[%parallel_loop3A_30], %parallel_loop3A_32 {add = true} : memref<10240xf32, #tpu.memory_space<vmem>>[vector<16xi32>], vector<16xf32>,
    } {sc.loop_unroll_factor = 4 : i64, sc.parallel_access}
    %eq3A = arith.constant 0 : i32
    %eq3A_24 = arith.cmpi eq, %add3A, %eq3A : i32
    %convert_element_type3A = arith.extui %eq3A_24 : i1 to i32
    %cond3A = arith.constant 0 : i32
    %cond3A_25 = arith.cmpi ne, %convert_element_type3A, %cond3A : i32
    scf.if %cond3A_25 {
      %dma_start3A_26 = arith.constant 0 : i32
      %dma_start3A_27 = arith.constant 319488 : i32
      %dma_start3A_28 = tpu.memref_slice %arg2[%dma_start3A_26, %dma_start3A_27] : memref<2x320000xi32, #tpu.memory_space<hbm>> -> memref<2x512xi32, #tpu.memory_space<hbm>>
      %dma_start3A_29 = arith.constant 0 : i32
      %dma_start3A_30 = arith.constant 319488 : i32
      %dma_start3A_31 = tpu.memref_slice %arg2[%dma_start3A_29, %dma_start3A_30] : memref<2x320000xi32, #tpu.memory_space<hbm>> -> memref<2x512xi32, #tpu.memory_space<hbm>>
      tpu.enqueue_dma source(%dma_start3A_31 : memref<2x512xi32, #tpu.memory_space<hbm>>) target(%arg7 : memref<2x512xi32, #tpu.memory_space<vmem>>) target_semaphore(%arg10 : memref<!tpu.dma_semaphore, #tpu.memory_space<semaphore_mem>>)
      %dma_start3A_32 = arith.constant 0 : i32
      %dma_start3A_33 = arith.constant 319488 : i32
      %dma_start3A_34 = tpu.memref_slice %arg3[%dma_start3A_32, %dma_start3A_33] : memref<1x320000xf32, #tpu.memory_space<hbm>> -> memref<1x512xf32, #tpu.memory_space<hbm>>
      %dma_start3A_35 = tpu.memref_squeeze %dma_start3A_34 : memref<1x512xf32, #tpu.memory_space<hbm>> -> memref<512xf32, #tpu.memory_space<hbm>>
      %dma_start3A_36 = arith.constant 319488 : i32
      %dma_start3A_37 = tpu.memref_slice %arg3[%dma_start3A_32, %dma_start3A_36] : memref<1x320000xf32, #tpu.memory_space<hbm>> -> memref<1x512xf32, #tpu.memory_space<hbm>>
      %dma_start3A_38 = tpu.memref_squeeze %dma_start3A_37 : memref<1x512xf32, #tpu.memory_space<hbm>> -> memref<512xf32, #tpu.memory_space<hbm>>
      tpu.enqueue_dma source(%dma_start3A_38 : memref<512xf32, #tpu.memory_space<hbm>>) target(%arg8 : memref<512xf32, #tpu.memory_space<vmem>>) target_semaphore(%arg11 : memref<!tpu.dma_semaphore, #tpu.memory_space<semaphore_mem>>)
      %dma_wait3A_39 = arith.constant 0 : i32
      %dma_wait3A_40 = arith.constant 319488 : i32
      %dma_wait3A_41 = tpu.memref_slice %arg2[%dma_wait3A_39, %dma_wait3A_40] : memref<2x320000xi32, #tpu.memory_space<hbm>> -> memref<2x512xi32, #tpu.memory_space<hbm>>
      %dma_wait3A_42 = arith.constant 0 : i32
      %dma_wait3A_43 = arith.constant 319488 : i32
      %dma_wait3A_44 = tpu.memref_slice %arg2[%dma_wait3A_42, %dma_wait3A_43] : memref<2x320000xi32, #tpu.memory_space<hbm>> -> memref<2x512xi32, #tpu.memory_space<hbm>>
      tpu.wait_dma2 semaphore(%arg10 : memref<!tpu.dma_semaphore, #tpu.memory_space<semaphore_mem>>) src(%dma_wait3A_44 : memref<2x512xi32, #tpu.memory_space<hbm>>) dst(%arg7 : memref<2x512xi32, #tpu.memory_space<vmem>>)
      %dma_wait3A_45 = arith.constant 0 : i32
      %dma_wait3A_46 = arith.constant 319488 : i32
      %dma_wait3A_47 = tpu.memref_slice %arg3[%dma_wait3A_45, %dma_wait3A_46] : memref<1x320000xf32, #tpu.memory_space<hbm>> -> memref<1x512xf32, #tpu.memory_space<hbm>>
      %dma_wait3A_48 = tpu.memref_squeeze %dma_wait3A_47 : memref<1x512xf32, #tpu.memory_space<hbm>> -> memref<512xf32, #tpu.memory_space<hbm>>
      %dma_wait3A_49 = arith.constant 319488 : i32
      %dma_wait3A_50 = tpu.memref_slice %arg3[%dma_wait3A_45, %dma_wait3A_49] : memref<1x320000xf32, #tpu.memory_space<hbm>> -> memref<1x512xf32, #tpu.memory_space<hbm>>
      %dma_wait3A_51 = tpu.memref_squeeze %dma_wait3A_50 : memref<1x512xf32, #tpu.memory_space<hbm>> -> memref<512xf32, #tpu.memory_space<hbm>>
      tpu.wait_dma2 semaphore(%arg11 : memref<!tpu.dma_semaphore, #tpu.memory_space<semaphore_mem>>) src(%dma_wait3A_51 : memref<512xf32, #tpu.memory_space<hbm>>) dst(%arg8 : memref<512xf32, #tpu.memory_space<vmem>>)
      %parallel_loop3A_52 = arith.constant 0 : i32
      %parallel_loop3A_53 = arith.constant 512 : i32
      %parallel_loop3A_54 = arith.constant 16 : i32
      scf.for %parallel_loop3A_55 = %parallel_loop3A_52 to %parallel_loop3A_53 step %parallel_loop3A_54  : i32 {
        %parallel_loop3A_56 = arith.constant 0 : i32
        %parallel_loop3A_57 = arith.index_cast %parallel_loop3A_56 : i32 to index
        %parallel_loop3A_58 = arith.index_cast %parallel_loop3A_55 : i32 to index
        %parallel_loop3A_59 = tpu.vector_load %arg7[%parallel_loop3A_57, %parallel_loop3A_58] {strides = array<i32>} : memref<2x512xi32, #tpu.memory_space<vmem>>, vector<16xi32>,
        %parallel_loop3A_60 = arith.index_cast %parallel_loop3A_55 : i32 to index
        %parallel_loop3A_61 = tpu.vector_load %arg8[%parallel_loop3A_60] {strides = array<i32>} : memref<512xf32, #tpu.memory_space<vmem>>, vector<16xf32>,
        tpu.vector_store_idx %arg9[%parallel_loop3A_59], %parallel_loop3A_61 {add = true} : memref<10240xf32, #tpu.memory_space<vmem>>[vector<16xi32>], vector<16xf32>,
      } {sc.loop_unroll_factor = 2 : i64, sc.parallel_access}
    } else {
    }
    "tpu.region"() ({
      %run_scoped3A = tpu.sem_alloc : memref<!tpu.dma_semaphore, #tpu.memory_space<semaphore_mem>>
      %dma_start3A_26 = arith.constant 0 : i32
      %dma_start3A_27 = tpu.memref_slice %arg4[%add3A, %dma_start3A_26] : memref<32x10240xf32, #tpu.memory_space<hbm>> -> memref<1x10240xf32, #tpu.memory_space<hbm>>
      %dma_start3A_28 = tpu.memref_squeeze %dma_start3A_27 : memref<1x10240xf32, #tpu.memory_space<hbm>> -> memref<10240xf32, #tpu.memory_space<hbm>>
      %dma_start3A_29 = arith.constant 0 : i32
      %dma_start3A_30 = tpu.memref_slice %arg4[%add3A, %dma_start3A_29] : memref<32x10240xf32, #tpu.memory_space<hbm>> -> memref<1x10240xf32, #tpu.memory_space<hbm>>
      %dma_start3A_31 = tpu.memref_squeeze %dma_start3A_30 : memref<1x10240xf32, #tpu.memory_space<hbm>> -> memref<10240xf32, #tpu.memory_space<hbm>>
      tpu.enqueue_dma source(%arg9 : memref<10240xf32, #tpu.memory_space<vmem>>) target(%dma_start3A_31 : memref<10240xf32, #tpu.memory_space<hbm>>) target_semaphore(%run_scoped3A : memref<!tpu.dma_semaphore, #tpu.memory_space<semaphore_mem>>)
      %dma_wait3A_32 = arith.constant 0 : i32
      %dma_wait3A_33 = tpu.memref_slice %arg4[%add3A, %dma_wait3A_32] : memref<32x10240xf32, #tpu.memory_space<hbm>> -> memref<1x10240xf32, #tpu.memory_space<hbm>>
      %dma_wait3A_34 = tpu.memref_squeeze %dma_wait3A_33 : memref<1x10240xf32, #tpu.memory_space<hbm>> -> memref<10240xf32, #tpu.memory_space<hbm>>
      %dma_wait3A_35 = arith.constant 0 : i32
      %dma_wait3A_36 = tpu.memref_slice %arg4[%add3A, %dma_wait3A_35] : memref<32x10240xf32, #tpu.memory_space<hbm>> -> memref<1x10240xf32, #tpu.memory_space<hbm>>
      %dma_wait3A_37 = tpu.memref_squeeze %dma_wait3A_36 : memref<1x10240xf32, #tpu.memory_space<hbm>> -> memref<10240xf32, #tpu.memory_space<hbm>>
      tpu.wait_dma2 semaphore(%run_scoped3A : memref<!tpu.dma_semaphore, #tpu.memory_space<semaphore_mem>>) src(%arg9 : memref<10240xf32, #tpu.memory_space<vmem>>) dst(%dma_wait3A_37 : memref<10240xf32, #tpu.memory_space<hbm>>)
      tpu.yield
    }) : () -> ()
    return
  }
}

module attributes {stable_mosaic.version = 14 : i64} {
  func.func @body(%arg0: i32, %arg1: memref<5120x128xf32, #tpu.memory_space<vmem>>, %arg2: memref<32x5120xf32, #tpu.memory_space<vmem>>, %arg3: memref<129x128xf32, #tpu.memory_space<vmem>>, %arg4: memref<1x128xf32, #tpu.memory_space<vmem>>, %arg5: memref<128x128xf32, #tpu.memory_space<vmem>>, %arg6: memref<1x128xf32, #tpu.memory_space<vmem>>, %arg7: memref<5120x128xf32, #tpu.memory_space<vmem>>) attributes {dimension_semantics = [#tpu.dimension_semantics<arbitrary>], iteration_bounds = array<i64: 2>, scalar_prefetch = 0 : i64, scratch_operands = 0 : i64, tpu.core_type = #tpu.core_type<tc>, window_params = [{transform_indices = @transform_0, window_bounds = array<i64: 5120, 128>}, {transform_indices = @transform_1, window_bounds = array<i64: 32, 5120>}, {pipeline_mode = #tpu.pipeline_mode<synchronous>, transform_indices = @transform_2, window_bounds = array<i64: 129, 128>}, {pipeline_mode = #tpu.pipeline_mode<synchronous>, transform_indices = @transform_3, window_bounds = array<i64: 1, 128>}, {pipeline_mode = #tpu.pipeline_mode<synchronous>, transform_indices = @transform_4, window_bounds = array<i64: 128, 128>}, {pipeline_mode = #tpu.pipeline_mode<synchronous>, transform_indices = @transform_5, window_bounds = array<i64: 1, 128>}, {transform_indices = @transform_6, window_bounds = array<i64: 5120, 128>}]} {
    %get3A = arith.constant 0 : index
    %get3A_0 = arith.constant 0 : index
    %get3A_1 = vector.load %arg1[%get3A, %get3A_0] : memref<5120x128xf32, #tpu.memory_space<vmem>>, vector<5120x128xf32>
    %get3A_2 = arith.constant 128 : index
    %get3A_3 = arith.constant 0 : index
    %get3A_4 = vector.load %arg3[%get3A_2, %get3A_3] : memref<129x128xf32, #tpu.memory_space<vmem>>, vector<1x128xf32>
    %mul3A = arith.constant 0.00999999977 : f32
    %mul3A_5 = vector.broadcast %mul3A : f32 to vector<1x128xf32>
    %mul3A_6 = arith.mulf %get3A_4, %mul3A_5 : vector<1x128xf32>
    %broadcast_in_dim3A = vector.shape_cast %mul3A_6 : vector<1x128xf32> to vector<1x128xf32>
    %broadcast_in_dim3A_7 = vector.broadcast %broadcast_in_dim3A : vector<1x128xf32> to vector<32x128xf32>
    %get3A_8 = arith.constant 0 : index
    %get3A_9 = arith.constant 0 : index
    %get3A_10 = vector.load %arg3[%get3A_8, %get3A_9] : memref<129x128xf32, #tpu.memory_space<vmem>>, vector<128x128xf32>
    %dot_general3A = arith.constant dense<0.000000e+00> : vector<5120x128xf32>
    %dot_general3A_11 = tpu.matmul %get3A_1, %get3A_10, %dot_general3A {dimension_numbers = #tpu.dot_dimension_numbers<[1], [0], [0], [1], [0, 0, 1, 1], [], []>, transpose_lhs_hint = false} : vector<5120x128xf32>, vector<128x128xf32>, vector<5120x128xf32> -> vector<5120x128xf32>
    %get3A_12 = arith.constant 0 : index
    %get3A_13 = arith.constant 0 : index
    %get3A_14 = vector.load %arg2[%get3A_12, %get3A_13] : memref<32x5120xf32, #tpu.memory_space<vmem>>, vector<32x5120xf32>
    %dot_general3A_15 = arith.constant dense<0.000000e+00> : vector<5120x128xf32>
    %dot_general3A_16 = tpu.matmul %get3A_14, %broadcast_in_dim3A_7, %dot_general3A_15 {dimension_numbers = #tpu.dot_dimension_numbers<[0], [0], [1], [1], [0, 1, 1, 1], [], []>, transpose_lhs_hint = false} : vector<32x5120xf32>, vector<32x128xf32>, vector<5120x128xf32> -> vector<5120x128xf32>
    %add3A = arith.addf %dot_general3A_11, %dot_general3A_16 : vector<5120x128xf32>
    %get3A_17 = arith.constant 0 : index
    %get3A_18 = arith.constant 0 : index
    %get3A_19 = vector.load %arg4[%get3A_17, %get3A_18] : memref<1x128xf32, #tpu.memory_space<vmem>>, vector<1x128xf32>
    %add3A_20 = vector.broadcast %get3A_19 : vector<1x128xf32> to vector<5120x128xf32>
    %add3A_21 = arith.addf %add3A, %add3A_20 : vector<5120x128xf32>
    %logistic3A = arith.negf %add3A_21 : vector<5120x128xf32>
    %logistic3A_22 = math.exp %logistic3A : vector<5120x128xf32>
    %logistic3A_23 = arith.constant 1.000000e+00 : f32
    %logistic3A_24 = vector.broadcast %logistic3A_23 : f32 to vector<5120x128xf32>
    %logistic3A_25 = arith.addf %logistic3A_24, %logistic3A_22 : vector<5120x128xf32>
    %logistic3A_26 = arith.divf %logistic3A_24, %logistic3A_25 : vector<5120x128xf32>
    %mul3A_27 = arith.mulf %add3A_21, %logistic3A_26 : vector<5120x128xf32>
    %get3A_28 = arith.constant 0 : index
    %get3A_29 = arith.constant 0 : index
    %get3A_30 = vector.load %arg5[%get3A_28, %get3A_29] : memref<128x128xf32, #tpu.memory_space<vmem>>, vector<128x128xf32>
    %dot_general3A_31 = arith.constant dense<0.000000e+00> : vector<5120x128xf32>
    %dot_general3A_32 = tpu.matmul %mul3A_27, %get3A_30, %dot_general3A_31 {dimension_numbers = #tpu.dot_dimension_numbers<[1], [0], [0], [1], [0, 0, 1, 1], [], []>, transpose_lhs_hint = false} : vector<5120x128xf32>, vector<128x128xf32>, vector<5120x128xf32> -> vector<5120x128xf32>
    %get3A_33 = arith.constant 0 : index
    %get3A_34 = arith.constant 0 : index
    %get3A_35 = vector.load %arg6[%get3A_33, %get3A_34] : memref<1x128xf32, #tpu.memory_space<vmem>>, vector<1x128xf32>
    %add3A_36 = vector.broadcast %get3A_35 : vector<1x128xf32> to vector<5120x128xf32>
    %add3A_37 = arith.addf %dot_general3A_32, %add3A_36 : vector<5120x128xf32>
    %add3A_38 = arith.addf %add3A_37, %get3A_1 : vector<5120x128xf32>
    %swap3A = arith.constant 0 : index
    %swap3A_39 = arith.constant 0 : index
    %swap3A_40 = vector.load %arg7[%swap3A, %swap3A_39] : memref<5120x128xf32, #tpu.memory_space<vmem>>, vector<5120x128xf32>
    tpu.vector_store %arg7[%swap3A, %swap3A_39], %add3A_38 {strides = array<i32>} : memref<5120x128xf32, #tpu.memory_space<vmem>>, vector<5120x128xf32>,
    return
  }
  func.func @transform_0(%arg0: i32) -> (i32, i32) {
    %c0_i32 = arith.constant 0 : i32
    %c0_i32_0 = arith.constant 0 : i32
    return %arg0, %c0_i32 : i32, i32
  }
  func.func @transform_1(%arg0: i32) -> (i32, i32) {
    %c0_i32 = arith.constant 0 : i32
    %c0_i32_0 = arith.constant 0 : i32
    return %c0_i32, %arg0 : i32, i32
  }
  func.func @transform_2(%arg0: i32) -> (i32, i32) {
    %c0_i32 = arith.constant 0 : i32
    %c0_i32_0 = arith.constant 0 : i32
    %c0_i32_1 = arith.constant 0 : i32
    return %c0_i32, %c0_i32_0 : i32, i32
  }
  func.func @transform_3(%arg0: i32) -> (i32, i32) {
    %c0_i32 = arith.constant 0 : i32
    %c0_i32_0 = arith.constant 0 : i32
    %c0_i32_1 = arith.constant 0 : i32
    return %c0_i32, %c0_i32_0 : i32, i32
  }
  func.func @transform_4(%arg0: i32) -> (i32, i32) {
    %c0_i32 = arith.constant 0 : i32
    %c0_i32_0 = arith.constant 0 : i32
    %c0_i32_1 = arith.constant 0 : i32
    return %c0_i32, %c0_i32_0 : i32, i32
  }
  func.func @transform_5(%arg0: i32) -> (i32, i32) {
    %c0_i32 = arith.constant 0 : i32
    %c0_i32_0 = arith.constant 0 : i32
    %c0_i32_1 = arith.constant 0 : i32
    return %c0_i32, %c0_i32_0 : i32, i32
  }
  func.func @transform_6(%arg0: i32) -> (i32, i32) {
    %c0_i32 = arith.constant 0 : i32
    %c0_i32_0 = arith.constant 0 : i32
    return %arg0, %c0_i32 : i32, i32
  }
}

</mosaic_0001>

<sc_bundles>
// kernel: kernel.4.cloned.1.call-start
scs
__scs_entry_jumppad:
0x0: {  	(pc) =	sbr.rel $0x88, $3  }
0x1: {  	(tag) =	ssettag $0x0;
	lr =	simm.s32 $0x1  }
0x2: {  	[smem:$0x3F9A] =	sst lr;
	_ =	strace $0xD0000000  }
0x3: {  	_ = 	snop  }
0x4: {  	_ = 	snop  }
0x5: {  	_ = 	snop  }
0x6: {  	_ = 	snop  }
0x7: {  	_ = 	snop  }
__scs_overlays_trampoline_lowered:
0x8: {  	[smem:$0x3FA9] =	sst s0  }
0x9: {  	[smem:$0x3FAA] =	sst s1  }
0xa: {  	[smem:$0x3FAB] =	sst s2  }
0xb: {  	[smem:$0x3FAC] =	sst s3  }
0xc: {  	[smem:$0x3FAD] =	sst s4  }
0xd: {  	[smem:$0x3FAE] =	sst s5  }
0xe: {  	[smem:$0x3FAF] =	sst s6  }
0xf: {  	[smem:$0x3FB0] =	sst s7  }
0x10: {  	[smem:$0x3FB1] =	sst s8  }
0x11: {  	[smem:$0x3FB2] =	sst s9;
	s0 =	simm.s32 @!p0 $0x0  }
0x12: {  	s1 =	sld [smem:$0x3F98];
	s0 =	simm.s32 @p0 $0x1  }
0x13: {  	[smem:$0x3FB3] =	sst s0;
	s0 =	simm.s32 @!p1 $0x0  }
0x14: {  	s2 =	sld [smem:$0x3F97];
	s0 =	simm.s32 @p1 $0x1  }
0x15: {  	[smem:$0x3FB4] =	sst s0;
	s0 =	simm.s32 @!p2 $0x0  }
0x16: {  	s3 =	sld [smem:$0x3FDB];
	s0 =	simm.s32 @p2 $0x1  }
0x17: {  	s4 =	simm.s32 $0x1BF5;
	[smem:$0x3FB6] =	sst s0  }
0x18: {  	s0 =	sld [smem:$0x3F99];
	_ =	swait.ge [sflag:s4], $0x0  }
0x19: {  	s7 =	sld [smem:$0x3F9A]  }
0x1a: {  	s8 =	sadd.s32 $0xFFFFE003, lr  }
0x1b: {  	s9 =	sadd.s32 $0xFFFFFEF7, lr;
	s5 =	simm.s32 $0xFFFFFFFF;
	p2 =	slt.u32 s8, $0xFFFFF086  }
0x1c: {  	p1 =	slt.u32 s9, $0xF7A;
	s5 =	simm.s32 @!p2 $0x0  }
0x1d: {  	s5 =	simm.s32 @p1 $0x1;
	p0 =	seq.s32 s7, s2  }
0x1e: {  	s7 =	smul.u32 @!p0 $0xF7A, s2;
	p2 =	seq.s32 @!p0 s5, $0x0  }
0x1f: {  	s9 =	smul.u32 $0xF7A, s1;
	s8 =	simm.s32 @!p0 $0x1BF5;
	p2 =	por !p2, p0  }
0x20: {  	[sflag:s8] =	ssyncset.s32 @!p0 $0xFFFFF086;
	s6 =	sadd.s32 @!p0 s3, s7;
	s7 =	simm.s32 @!p0 $0x108  }
0x21: {  	s3 =	sadd.s32 s3, s9;
	s6 =	sadd.s32 @!p0 $0x88, s6;
	s7 =	simm.s32 @p2 $0x1082  }
0x22: {  	[simem:s7], [sflag:s8] =	dma.local @!p0 [hbm:s6], $0xF7A  }
0x23: {  	s9 =	sor.u32 $0xD0000000, s2;
	s6 =	simm.s32 $0x108;
	_ =	swait.ge @!p0 [sflag:s8], $0x0  }
0x24: {  	s3 =	sadd.s32 $0x88, s3;
	s6 =	simm.s32 @!p1 $0x1082;
	[sflag:s4] =	ssyncset.s32 $0xFFFFF086  }
0x25: {  	[simem:s6], [sflag:s4] =	dma.local [hbm:s3], $0xF7A  }
0x26: {  	[smem:$0x3F9A] =	sst s1;
	(tag) =	ssettag s2;
	_ =	strace s9  }
0x27: {  	s1 =	sld [smem:$0x3FAA]  }
0x28: {  	s2 =	sld [smem:$0x3FAB]  }
0x29: {  	s4 =	sld [smem:$0x3FAD]  }
0x2a: {  	p0 =	seq.s32 s5, $0x0;
	s5 =	sld [smem:$0x3FAE]  }
0x2b: {  	s6 =	sld [smem:$0x3FAF]  }
0x2c: {  	s7 =	sld [smem:$0x3FB0]  }
0x2d: {  	s3 =	simm.s32 $0x108;
	s8 =	sld [smem:$0x3FB1]  }
0x2e: {  	s3 =	simm.s32 @!p0 $0x1082;
	s9 =	sld [smem:$0x3FB2]  }
0x2f: {  	lr =	sadd.s32 s0, s3;
	s0 =	sld [smem:$0x3FA9]  }
0x30: {  	s3 =	sld [smem:$0x3FAC]  }
0x31: {  	[smem:$0x3FB5] =	sst s10  }
0x32: {  	s10 =	sld [smem:$0x3FB3];
	_ =	sdelay $0x3  }
0x33: {  	p0 =	seq.s32 s10, $0x1;
	s10 =	sld [smem:$0x3FB5];
	_ =	sdelay $0x3  }
0x34: {  	[smem:$0x3FB5] =	sst s10  }
0x35: {  	s10 =	sld [smem:$0x3FB4];
	_ =	sdelay $0x3  }
0x36: {  	p1 =	seq.s32 s10, $0x1;
	s10 =	sld [smem:$0x3FB5];
	_ =	sdelay $0x3  }
0x37: {  	[smem:$0x3FB5] =	sst s10  }
0x38: {  	s10 =	sld [smem:$0x3FB6]  }
0x39: {  	_ = 	snop;
	(pc) =	sbr.ind lr, $3  }
0x3a: {  	_ = 	snop  }
0x3b: {  	_ = 	snop  }
0x3c: {  	p2 =	seq.s32 s10, $0x1;
	s10 =	sld [smem:$0x3FB5]  }
0x3d: {  	_ =	shalt  }
0x3e: {  	_ =	shalt  }
0x3f: {  	_ =	shalt  }
0x40: {  	_ =	shalt  }
0x41: {  	_ =	shalt  }
0x42: {  	_ =	shalt  }
0x43: {  	_ =	shalt  }
0x44: {  	_ =	shalt  }
0x45: {  	_ =	shalt  }
0x46: {  	_ =	shalt  }
0x47: {  	_ =	shalt  }
0x48: {  	_ =	shalt  }
0x49: {  	_ =	shalt  }
0x4a: {  	_ =	shalt  }
0x4b: {  	_ =	shalt  }
0x4c: {  	_ =	shalt  }
0x4d: {  	_ =	shalt  }
0x4e: {  	_ =	shalt  }
0x4f: {  	_ =	shalt  }
0x50: {  	_ =	shalt  }
0x51: {  	_ =	shalt  }
0x52: {  	_ =	shalt  }
0x53: {  	_ =	shalt  }
0x54: {  	_ =	shalt  }
0x55: {  	_ =	shalt  }
0x56: {  	_ =	shalt  }
0x57: {  	_ =	shalt  }
0x58: {  	_ =	shalt  }
0x59: {  	_ =	shalt  }
0x5a: {  	_ =	shalt  }
0x5b: {  	_ =	shalt  }
0x5c: {  	_ =	shalt  }
0x5d: {  	_ =	shalt  }
0x5e: {  	_ =	shalt  }
0x5f: {  	_ =	shalt  }
0x60: {  	_ =	shalt  }
0x61: {  	_ =	shalt  }
0x62: {  	_ =	shalt  }
0x63: {  	_ =	shalt  }
0x64: {  	_ =	shalt  }
0x65: {  	_ =	shalt  }
0x66: {  	_ =	shalt  }
0x67: {  	_ =	shalt  }
0x68: {  	_ =	shalt  }
0x69: {  	_ =	shalt  }
0x6a: {  	_ =	shalt  }
0x6b: {  	_ =	shalt  }
0x6c: {  	_ =	shalt  }
0x6d: {  	_ =	shalt  }
0x6e: {  	_ =	shalt  }
0x6f: {  	_ =	shalt  }
0x70: {  	_ =	shalt  }
0x71: {  	_ =	shalt  }
0x72: {  	_ =	shalt  }
0x73: {  	_ =	shalt  }
0x74: {  	_ =	shalt  }
0x75: {  	_ =	shalt  }
0x76: {  	_ =	shalt  }
0x77: {  	_ =	shalt  }
0x78: {  	_ =	shalt  }
0x79: {  	_ =	shalt  }
0x7a: {  	_ =	shalt  }
0x7b: {  	_ =	shalt  }
0x7c: {  	_ =	shalt  }
0x7d: {  	_ =	shalt  }
0x7e: {  	_ =	shalt  }
0x7f: {  	_ =	shalt  }
0x80: {  	_ =	shalt  }
0x81: {  	_ =	shalt  }
0x82: {  	_ =	shalt  }
0x83: {  	_ =	shalt  }
0x84: {  	_ =	shalt  }
0x85: {  	_ =	shalt  }
0x86: {  	_ =	shalt  }
0x87: {  	_ =	shalt  }
.Lfunc_end0:
.L_simem_size_0:
called_computation_lowered:
.L_overlay_start_0:
0x88: {  	s2 =	sld [smem:$0x3FD9]  }
0x89: {  	s3 =	sld [smem:$0x3FFE];
	_ =	sdelay $0x1  }
0x8a: {  	s1 =	srdreg.scid  }
0x8b: {  	s0 =	sand.u32 $0x1, s1  }
0x8c: {  	s18 =	sshll.u32 s0, $0xA;
	s2 =	sadd.s32 s3, s2  }
0x8d: {  	s2 =	sadd.s32 s2, s18  }
0x8e: {  	[smem:$0x3FC1] =	sst s2  }
0x8f: {  	_ = 	snop  }
0x90: {  	s2 =	sld [smem:$0x3FC8]  }
0x91: {  	s19 =	sld [smem:$0x3FC7]  }
0x92: {  	s4 =	sld [smem:$0x3FD0];
	(tm) =	ssettm $0x1  }
0x93: {  	s5 =	sld [smem:$0x3FFB];
	_ =	sdelay $0x3  }
0x94: {  	_ =	strace s5  }
0x95: {  	s5 =	sld [smem:$0x3FFC];
	_ =	sdelay $0x3  }
0x96: {  	_ =	strace s5  }
0x97: {  	s5 =	sld [smem:$0x3FFD];
	_ =	sdelay $0x3  }
0x98: {  	_ =	strace s5  }
0x99: {  	_ =	strace $0x8FFFFFFF  }
0x9a: {  	s20 =	sld [smem:$0x3FDB];
	_ =	sdelay $0x1  }
0x9b: {  	s6 =	simm.s32 $_scs_section_size  }
0x9c: {  	s7 =	simm.s32 $_size__tile_overlayer_lowered;
	s8 =	simm.s32 $_tile_overlayer_lowered  }
0x9d: {  	s23 =	simm.s32 $0x1BFF;
	s22 =	sshll.u32 s8, $0x1;
	s5 =	sadd.s32 s6, s20  }
0x9e: {  	s9 =	simm.s32 $0x0;
	s21 =	sshll.u32 s7, $0x1;
	s7 =	sadd.s32 s22, s5  }
0x9f: {  	[timem:s9], [sflag:s23] =	dma.local [hbm:s7], s21  }
0xa0: {  	_ =	swait.ge [sflag:s23], s21  }
0xa1: {  	s6 =	ssub.s32 $0x0, s21;
	[sflag:s23] =	ssyncset.done $0x0  }
0xa2: {  	[sflag:s23] =	ssyncadd.s32 s6;
	_ =	sdelay $0x1  }
0xa3: {  	s24 =	simm.s32 $0x1B8B  }
0xa4: {  	_ =	swait.ge [sflag:s24], $0x1  }
0xa5: {  	[sflag:s24] =	ssyncset.done $0x0  }
0xa6: {  	s25 =	simm.s32 $0x1B8E;
	[sflag:s24] =	ssyncadd.s32 $0xFFFFFFFF  }
0xa7: {  	s26 =	simm.s32 $execute0_lowered;
	[smem:$0x3FD2] =	sst s25  }
0xa8: {  	s6 =	sshll.u32 s26, $0x1;
	_ =	strace $0x80000046;
	[dreg:$0x1] =	wrdreg $0xFFFFFFFF  }
0xa9: {  	s28 =	simm.s32 $_size_execute0_lowered;
	s5 =	sadd.s32 s5, s6;
	[dreg:$0x0] =	wrdreg $0x0  }
0xaa: {  	s6 =	sshll.u32 s28, $0x1;
	[dreg:$0x2] =	wrdreg s5  }
0xab: {  	[dreg:$0x3] =	wrdreg s6  }
0xac: {  	[dreg:$0x4] =	wrdreg $0xC0  }
0xad: {  	_ =	task [dreg:s9], $0x5FFFF  }
0xae: {  	[dreg:$0x1] =	wrdreg $0xFFFFFFFF  }
0xaf: {  	[dreg:$0x0] =	wrdreg $0x60  }
0xb0: {  	[dreg:$0x2] =	wrdreg s2  }
0xb1: {  	[dreg:$0x3] =	wrdreg s19  }
0xb2: {  	[dreg:$0x4] =	wrdreg s4  }
0xb3: {  	[dreg:$0x5] =	wrdreg $0x9  }
0xb4: {  	_ =	task.clear_ibuf [dreg:s9], $0x6FFFF;
	_ =	strace $0x90000046  }
0xb5: {  	s29 =	simm.s32 $0x9;
	_ =	strace $0x80000048  }
0xb6: {  	_ =	swait.ge [sflag:s29], $0x1  }
0xb7: {  	[sflag:s29] =	ssyncadd.s32 $0xFFFFFFFF  }
0xb8: {  	_ =	strace $0x90000048  }
0xb9: {  	_ =	sfence  }
0xba: {  	s30 =	sld [smem:$0x0];
	_ =	sdelay $0x2  }
0xbb: {  	s31 =	sshll.u32 s1, $0xD;
	s1 =	sshrl.u32 s1, $0x2  }
0xbc: {  	s3 =	sand.u32 $0x4000, s31;
	s1 =	sadd.s32 s1, s30  }
0xbd: {  	s0 =	sor.u32 s3, s0;
	s1 =	sshll.u32 s1, $0x11  }
0xbe: {  	s0 =	sor.u32 s1, s0  }
0xbf: {  	s0 =	sadd.s32 $0x8F2B, s0  }
0xc0: {  	[sflag:s0] =	ssyncadd.remote.s32 $0x1  }
0xc1: {  	_ =	sfence.sel $0xFFFF  }
0xc2: {  	[dreg:$0x0] =	wrdreg $0xFFFFFFFF;
	(pc) =	sbr.abs _section_cstart, $3  }
0xc3: {  	[dreg:$0x1] =	wrdreg $0xFFFFFFFF  }
0xc4: {  	_ =	task.clear_ibuf [dreg:s9], $0x2FFFF;
	_ =	strace $0x9FFFFFFF  }
0xc5: {  	(tm) =	ssettm $0x7FFFFFFF  }
tec
execute0_lowered:
.L_overlay_start_1:
0x0: {  	(tag) =	ssettag $0x1  }
0x1: {  	s5 =	rddreg [dreg:$0x0]  }
0x2: {  	s6 =	rddreg [dreg:$0x1]  }
0x3: {  	s1 =	srdreg.scid;
	s0 =	stileid.u32  }
0x4: {  	s7 =	rddreg [dreg:$0x2];
	s2 =	simm.s32 $0x0;
	s12 =	simm.s32 $0x7B00  }
0x5: {  	s14 =	simm.s32 $0x80;
	s15 =	simm.s32 $0x400;
	s16 =	simm.s32 $0x3  }
0x6: {  	s3 =	sand.u32 $0x1, s1;
	s4 =	sshll.u32 s0, $0x1;
	s9 =	sshrl.u32 s0, $0x2  }
0x7: {  	s1 =	rddreg [dreg:$0x3];
	s13 =	sor.u32 s3, s4;
	s9 =	smul.u32 $0x14000, s9  }
0x8: {  	s17 =	simm.s32 $0x0;
	[smem:$0x7FF] =	sst s2;
	s4 =	smul.u32 $0x9C0, s13  }
0x9: {  	s3 =	ssub.s32 $0x2, s3;
	_ =	strace $0x80000047;
	s8 =	smul.u32 $0x4E0, s13  }
0xa: {  	s10 =	sshrl.u32 s3, $0x1;
	s11 =	sshll.u32 s13, $0x7;
	p0 =	sne.s32 s13, $0x0  }
.Ltmp0:
0xb: {  	s13 =	simm.s32 $0x7500;
	s10 =	ssub.s32 s3, s10;
	(pc) =	sbr.rel .LBB2_1-.Ltmp0, $4  }
0xc: {  	s11 =	sand.u32 $0x380, s11;
	s3 =	sadd.s32 s5, s4;
	s4 =	sadd.s32 s6, s8  }
0xd: {  	s31 =	sor.u32 s9, s11;
	s5 =	sadd.s32 $0x13800, s5;
	s6 =	sadd.s32 $0x9C00, s6  }
0xe: {  	s9 =	simm.s32 $0x4E00;
	s11 =	simm.s32 $0x2;
	s8 =	sshrl.u32 s31, $0x3  }
0xf: {  	v0 =	vimm.f32 $0.0e+00;
	s7 =	sadd.s32 s7, s8;
	s8 =	smax.u32 s10, $0x1;
	s10 =	simm.s32 $0x1  }
.LBB2_8:
0x10: {  	s18 =	sadd.s32 $0x20, s18  }
0x11: {  	v4 =	vld [tilespmem:s18+$0x0];
	_ =	sdelay $0x3  }
0x12: {  	[tilespmem:v1+s12+$0x0] =	vst.idx.add.f32.msk $0xffff, v3  }
0x13: {  	[tilespmem:v2+s12+$0x0] =	vst.idx.add.f32.msk $0xffff, v4  }
.LBB2_9:
0x14: {  	s17 =	sadd.s32 $0x1, s17  }
0x15: {  	p1 =	sne.s32 s17, s8  }
.Ltmp1:
0x16: {  	_ = 	snop;
	(pc) =	sbr.rel @!p1 .LBB2_10-.Ltmp1, $4  }
0x17: {  	[hbm4b:s7+s14] =	stream.strided.scatter [tilespmem:s12], [sflag:$0x3], $0x2800, s15, s14, $0x38;
	[tilespmem:$0xA300] =	vst v63  }
0x18: {  	_ =	swait.ge [sflag:s16], $0x2800  }
0x19: {  	[sflag:s16] =	ssyncset.done $0x0  }
0x1a: {  	[sflag:s16] =	ssyncadd.s32 $0xFFFFD800  }
.LBB2_1:
0x1b: {  	[tilespmem:s2], [sflag:$0x1] =	stream.linear.gather [hbm4b:s3+s2], $0x4E00, $0x38;
	[tilespmem:$0xA300] =	vst v63  }
0x1c: {  	s18 =	simm.s32 $0x7B20  }
0x1d: {  	[tilespmem:s9], [sflag:$0x2] =	stream.linear.gather [hbm4b:s4+s2], $0x2700, $0x38;
	[tilespmem:$0xA300] =	vst v63  }
0x1e: {  	[tilespmem:s18+$0xFFFFFFE0] =	vst v0  }
0x1f: {  	[tilespmem:s18+$0x10] =	vst v0  }
0x20: {  	s19 =	simm.s32 $0x0;
	[tilespmem:s18+$0x0] =	vst v0  }
.LBB2_2:
0x21: {  	s19 =	sadd.s32 $0x40, s19  }
0x22: {  	[tilespmem:s18+$0xFFFFFFF0] =	vst v0;
	s18 =	sadd.s32 $0x40, s18;
	p1 =	slt.u32 s19, $0x27C0  }
.Ltmp2:
0x23: {  	[tilespmem:s18+$0xFFFFFFE0] =	vst v0;
	(pc) =	sbr.rel @p1 .LBB2_2-.Ltmp2, $3  }
0x24: {  	_ =	sdelay $0x1  }
0x25: {  	[tilespmem:s18+$0x10] =	vst v0  }
0x26: {  	[tilespmem:s18+$0x0] =	vst v0  }
0x27: {  	[tilespmem:s18+$0xFFFFFFF0] =	vst v0  }
0x28: {  	_ =	swait.ge [sflag:s10], $0x4E00  }
0x29: {  	[sflag:s10] =	ssyncset.done $0x0  }
0x2a: {  	s30 =	simm.s32 $0x0;
	[sflag:s10] =	ssyncadd.s32 $0xFFFFB200  }
0x2b: {  	s20 =	simm.s32 $0x0;
	s19 =	sand.u32 $0x40, s30;
	_ =	swait.ge [sflag:s11], $0x2700  }
0x2c: {  	s20 =	sand.u32 $0x7F00, s20;
	s21 =	sor.u32 $0x30, s19;
	[sflag:s11] =	ssyncset.done $0x0  }
0x2d: {  	s22 =	sor.u32 $0x10, s19;
	s23 =	sor.u32 s21, s20;
	[sflag:s11] =	ssyncadd.s32 $0xFFFFD900  }
0x2e: {  	s18 =	sand.u32 $0x3F80, s30;
	s25 =	sor.u32 $0x20, s19;
	s24 =	sor.u32 s22, s20;
	v1 =	vld [tilespmem:s23+$0x0]  }
0x2f: {  	s18 =	sadd.s32 $0x4E00, s18;
	s31 =	sor.u32 s25, s20;
	v2 =	vld [tilespmem:s24+$0x0]  }
0x30: {  	s21 =	sor.u32 s21, s18;
	v3 =	vld [tilespmem:s31+$0x0]  }
0x31: {  	s26 =	sor.u32 s22, s18;
	v4 =	vld [tilespmem:s21+$0x0]  }
0x32: {  	s18 =	sor.u32 s25, s18;
	v5 =	vld [tilespmem:s26+$0x0]  }
0x33: {  	s19 =	sor.u32 s19, s20;
	v6 =	vld [tilespmem:s18+$0x0]  }
0x34: {  	v8 =	vld [tilespmem:s19+$0x0];
	s18 =	simm.s32 $0x4E00  }
0x35: {  	s19 =	simm.s32 $0x40;
	v9 =	vld [tilespmem:s18+$0x0]  }
0x36: {  	s28 =	simm.s32 $0x80;
	s20 =	sand.u32 $0x40, s19;
	[tilespmem:v1+s12+$0x0] =	vst.idx.add.f32.msk $0xffff, v4  }
0x37: {  	s21 =	sand.u32 $0x7F00, s28;
	s22 =	sor.u32 $0x30, s20;
	[tilespmem:v2+s12+$0x0] =	vst.idx.add.f32.msk $0xffff, v5  }
0x38: {  	s23 =	sor.u32 $0x10, s20;
	s29 =	sor.u32 s22, s21;
	[tilespmem:v3+s12+$0x0] =	vst.idx.add.f32.msk $0xffff, v6  }
0x39: {  	s28 =	sand.u32 $0x3F80, s19;
	s26 =	sor.u32 $0x20, s20;
	s30 =	sor.u32 s23, s21;
	v3 =	vld [tilespmem:s29+$0x0]  }
0x3a: {  	s31 =	sor.u32 s26, s21;
	v1 =	vld [tilespmem:s30+$0x0];
	s29 =	sadd.s32 $0x4E00, s28  }
0x3b: {  	v2 =	vld [tilespmem:s31+$0x0];
	s22 =	sor.u32 s22, s29  }
0x3c: {  	s20 =	sor.u32 s20, s21;
	v7 =	vld [tilespmem:s22+$0x0]  }
0x3d: {  	v5 =	vld [tilespmem:s20+$0x0];
	s30 =	sor.u32 s23, s29  }
0x3e: {  	s31 =	sor.u32 s26, s29;
	v6 =	vld [tilespmem:s30+$0x0]  }
0x3f: {  	v4 =	vld [tilespmem:s31+$0x0]  }
0x40: {  	s20 =	simm.s32 $0x200;
	[tilespmem:v8+s12+$0x0] =	vst.idx.add.f32.msk $0xffff, v9  }
.LBB2_4:
0x41: {  	s19 =	sadd.s32 $0x40, s19;
	[tilespmem:v3+s12+$0x0] =	vst.idx.add.f32.msk $0xffff, v7;
	s20 =	sadd.s32 $0x200, s20;
	s18 =	sadd.s32 $0x40, s18  }
0x42: {  	s21 =	sand.u32 $0x40, s19;
	s22 =	sshrl.u32 s20, $0x2;
	p1 =	slt.u32 s19, $0x26C0;
	v8 =	vld [tilespmem:s18+$0x0];
	v9 =	vmov v5  }
0x43: {  	s22 =	sand.u32 $0x7F00, s22;
	s23 =	sor.u32 $0x10, s21;
	s24 =	sor.u32 $0x30, s21;
	[tilespmem:v1+s12+$0x0] =	vst.idx.add.f32.msk $0xffff, v6  }
0x44: {  	s26 =	sor.u32 $0x20, s21;
	s25 =	sor.u32 s23, s22;
	s28 =	sor.u32 s24, s22;
	[tilespmem:v2+s12+$0x0] =	vst.idx.add.f32.msk $0xffff, v4  }
0x45: {  	s29 =	sand.u32 $0x3F80, s19;
	s21 =	sor.u32 s21, s22;
	s22 =	sor.u32 s26, s22;
	v3 =	vld [tilespmem:s28+$0x0]  }
0x46: {  	v1 =	vld [tilespmem:s25+$0x0];
	s25 =	sadd.s32 $0x4E00, s29  }
0x47: {  	s23 =	sor.u32 s23, s25;
	v2 =	vld [tilespmem:s22+$0x0];
	s22 =	sor.u32 s26, s25;
	s24 =	sor.u32 s24, s25  }
.Ltmp3:
0x48: {  	v7 =	vld [tilespmem:s24+$0x0];
	(pc) =	sbr.rel @p1 .LBB2_4-.Ltmp3, $4  }
0x49: {  	v5 =	vld [tilespmem:s21+$0x0]  }
0x4a: {  	v6 =	vld [tilespmem:s23+$0x0]  }
0x4b: {  	v4 =	vld [tilespmem:s22+$0x0]  }
0x4c: {  	[tilespmem:v9+s12+$0x0] =	vst.idx.add.f32.msk $0xffff, v8  }
0x4d: {  	_ = 	snop  }
0x4e: {  	s18 =	sadd.s32 $0x40, s18  }
0x4f: {  	v8 =	vld [tilespmem:s18+$0x0]  }
.Ltmp4:
0x50: {  	_ = 	snop;
	(pc) =	sbr.rel @p0 .LBB2_9-.Ltmp4, $4  }
0x51: {  	[tilespmem:v3+s12+$0x0] =	vst.idx.add.f32.msk $0xffff, v7  }
0x52: {  	[tilespmem:v1+s12+$0x0] =	vst.idx.add.f32.msk $0xffff, v6  }
0x53: {  	[tilespmem:v2+s12+$0x0] =	vst.idx.add.f32.msk $0xffff, v4  }
0x54: {  	[tilespmem:v5+s12+$0x0] =	vst.idx.add.f32.msk $0xffff, v8  }
0x55: {  	s19 =	simm.s32 $0x0  }
0x56: {  	[tilespmem:s13], [sflag:$0x1] =	stream.linear.gather [hbm4b:s5+s19], $0x400, $0x38;
	[tilespmem:$0xA300] =	vst v63  }
0x57: {  	s18 =	simm.s32 $0x7900  }
0x58: {  	[tilespmem:s18], [sflag:$0x2] =	stream.linear.gather [hbm4b:s6+s19], $0x200, $0x38;
	[tilespmem:$0xA300] =	vst v63  }
0x59: {  	_ =	swait.ge [sflag:s10], $0x400  }
0x5a: {  	[sflag:s10] =	ssyncset.done $0x0  }
0x5b: {  	s20 =	simm.s32 $0x0;
	s19 =	sand.u32 $0xC00, s19;
	[sflag:s10] =	ssyncadd.s32 $0xFFFFFC00  }
0x5c: {  	s21 =	sand.u32 $0x60, s20;
	s19 =	sshrl.u32 s19, $0x2;
	_ =	swait.ge [sflag:s11], $0x200  }
0x5d: {  	s22 =	sor.u32 $0x10, s21;
	s19 =	sadd.s32 $0x7500, s19;
	[sflag:s11] =	ssyncset.done $0x0  }
0x5e: {  	s23 =	sor.u32 s22, s19;
	[sflag:s11] =	ssyncadd.s32 $0xFFFFFE00  }
0x5f: {  	v1 =	vld [tilespmem:s23+$0x0]  }
0x60: {  	s20 =	sand.u32 $0x180, s20;
	s19 =	sor.u32 s21, s19  }
0x61: {  	s25 =	sor.u32 s22, s20;
	v3 =	vld [tilespmem:s19+$0x0]  }
0x62: {  	v2 =	vld [tilespmem:s25+$0x7900]  }
0x63: {  	s26 =	simm.s32 $0x100  }
0x64: {  	s20 =	sand.u32 $0xC00, s26;
	s19 =	simm.s32 $0x20  }
0x65: {  	s20 =	sshrl.u32 s20, $0x2;
	v4 =	vld [tilespmem:s18+$0x0];
	s28 =	sand.u32 $0x60, s19  }
0x66: {  	s20 =	sadd.s32 $0x7500, s20;
	s29 =	sor.u32 $0x10, s28  }
0x67: {  	s30 =	sor.u32 s29, s20;
	[tilespmem:v1+s12+$0x0] =	vst.idx.add.f32.msk $0xffff, v2  }
0x68: {  	s20 =	sor.u32 s28, s20;
	v1 =	vld [tilespmem:s30+$0x0]  }
0x69: {  	s31 =	sand.u32 $0x180, s19;
	v2 =	vld [tilespmem:s20+$0x0]  }
0x6a: {  	s20 =	sor.u32 s29, s31;
	[tilespmem:v3+s12+$0x0] =	vst.idx.add.f32.msk $0xffff, v4  }
0x6b: {  	v3 =	vld [tilespmem:s20+$0x7900]  }
0x6c: {  	s20 =	simm.s32 $0x200  }
.LBB2_7:
0x6d: {  	s19 =	sadd.s32 $0x20, s19;
	s21 =	sand.u32 $0xC00, s20;
	s18 =	sadd.s32 $0x20, s18  }
0x6e: {  	v5 =	vmov v2;
	s22 =	sand.u32 $0x60, s19;
	s21 =	sshrl.u32 s21, $0x2;
	p1 =	slt.u32 s19, $0x1E0;
	v4 =	vld [tilespmem:s18+$0x0]  }
0x6f: {  	s21 =	sadd.s32 $0x7500, s21;
	s23 =	sor.u32 $0x10, s22  }
0x70: {  	s22 =	sor.u32 s22, s21;
	s21 =	sor.u32 s23, s21;
	[tilespmem:v1+s12+$0x0] =	vst.idx.add.f32.msk $0xffff, v3  }
.Ltmp5:
0x71: {  	v1 =	vld [tilespmem:s21+$0x0];
	(pc) =	sbr.rel @p1 .LBB2_7-.Ltmp5, $4  }
0x72: {  	s21 =	sand.u32 $0x180, s19;
	v2 =	vld [tilespmem:s22+$0x0]  }
0x73: {  	s21 =	sor.u32 s23, s21;
	[tilespmem:v5+s12+$0x0] =	vst.idx.add.f32.msk $0xffff, v4  }
0x74: {  	v3 =	vld [tilespmem:s21+$0x7900]  }
0x75: {  	s20 =	sadd.s32 $0x100, s20  }
.Ltmp6:
0x76: {  	_ = 	snop;
	(pc) =	sbr.rel .LBB2_8-.Ltmp6, $1  }
0x77: {  	_ =	sdelay $0x3  }
.LBB2_10:
0x78: {  	_ =	sfence.sel $0x180000  }
0x79: {  	[bflag:$0x0] =	sbarrier.arrive $0xFFFF  }
0x7a: {  	p0 =	sne.s32 s0, $0x0;
	_ =	strace $0x90000047  }
0x7b: {  	s0 =	sadd.s32 @!p0 $0x100000, s1;
	[bflag:$0x2] =	sbarrier.arrive $0xFFFF  }
0x7c: {  	[sflag:s0] =	ssyncadd.tile.s32 @!p0 $0x1;
	_ =	shalt  }
.Lfunc_end2:
_tile_overlayer_lowered:
.L_overlay_start_2:
0x7d: {  	(tag) =	ssettag $0x2  }
0x7e: {  	s0 =	rddreg [dreg:$0x0];
	s2 =	stileid.u32  }
0x7f: {  	s1 =	rddreg [dreg:$0x1];
	p0 =	sne.s32 s2, $0x0  }
0x80: {  	s3 =	rddreg [dreg:$0x2];
	[bflag:$0x3] =	sbarrier.arrive $0xFFFF;
	s2 =	simm.s32 @!p0 $0x1C03  }
0x81: {  	[timem:s3], [sflag:s2] =	dma.local @!p0 [hbm:s0], s1  }
0x82: {  	s0 =	simm.s32 @!p0 $0x3  }
0x83: {  	_ =	swait.ge @!p0 [sflag:s0], s1  }
0x84: {  	s1 =	ssub.s32 @!p0 $0x0, s1;
	[sflag:s0] =	ssyncset.done @!p0 $0x0  }
0x85: {  	[sflag:s0] =	ssyncadd.s32 @!p0 s1  }
0x86: {  	[bflag:$0x3] =	sbarrier.arrive $0xFFFF  }
0x87: {  	_ =	shalt  }

</sc_bundles>
